<compile_context>
chip_gen: v7x
topology: tpu7x:2x2x1
jax: 0.10.2.dev20260603
libtpu: 0.0.44.dev20260713+nightly
codegen_flags: <defaults>
</compile_context>

<pallas_src>
import functools

import jax
import jax.numpy as jnp
from jax import lax
from jax.experimental import pallas as pl
from jax.experimental.pallas import tpu as pltpu
from jax.experimental.pallas import tpu_sc as plsc

_VOCAB = 1000000
_N_EMBD = 32
_B = 4096
_T = 200
_B_TOTAL = _B * _T
_NW = 32
_B_PER_W = _B_TOTAL // _NW
_CHUNK = 640
_NBUF = 4
_N_CHUNKS = _B_PER_W // _CHUNK
_NGRP = _N_CHUNKS // _NBUF

_RB = 2048
_NJ = 123
_VPAD = 4 * _RB * _NJ


def _eye(n):
    r = lax.broadcasted_iota(jnp.int32, (n, n), 0)
    c = lax.broadcasted_iota(jnp.int32, (n, n), 1)
    return jnp.where(r == c, 1.0, 0.0).astype(jnp.float32)


def _transpose_table_body(a0, a1, a2, a3, out_ref):
    g = jnp.concatenate([a0[...], a1[...], a2[...], a3[...]], axis=0)
    out_ref[...] = jnp.transpose(g)


def _transpose_table(tt):
    in_specs = [
        pl.BlockSpec(
            (32, _RB),
            functools.partial(
                lambda a, j: (0, jnp.minimum(4 * j + a, _VOCAB // _RB)), a
            ),
        )
        for a in range(4)
    ]
    return pl.pallas_call(
        _transpose_table_body,
        grid=(_NJ,),
        in_specs=in_specs,
        out_specs=pl.BlockSpec((_RB, 128), lambda j: (j, 0)),
        out_shape=jax.ShapeDtypeStruct((_VPAD // 4, 128), jnp.float32),
    )(tt, tt, tt, tt)


def _transpose_out_body(in_ref, out_ref):
    x = in_ref[...]
    for a in range(4):
        out_ref[:, 1024 * a:1024 * (a + 1)] = jnp.transpose(
            x[:, 32 * a:32 * (a + 1)]
        )


def _transpose_out(rows128):
    return pl.pallas_call(
        _transpose_out_body,
        grid=(_T,),
        in_specs=[pl.BlockSpec((_B // 4, 128), lambda t: (t, 0))],
        out_specs=pl.BlockSpec((_N_EMBD, _B), lambda t: (t, 0)),
        out_shape=jax.ShapeDtypeStruct((_T * _N_EMBD, _B), jnp.float32),
    )(rows128)


_mesh = plsc.VectorSubcoreMesh(core_axis_name="c", subcore_axis_name="s")


@functools.partial(
    pl.kernel,
    mesh=_mesh,
    out_type=jax.ShapeDtypeStruct((_B_TOTAL, _N_EMBD), jnp.float32),
    scratch_types=[
        pltpu.VMEM((_B_PER_W,), jnp.int32),
    ]
    + [pltpu.VMEM((_CHUNK, _N_EMBD), jnp.float32) for _ in range(_NBUF)]
    + [pltpu.SemaphoreType.DMA for _ in range(2 * _NBUF)],
    compiler_params=pltpu.CompilerParams(use_tc_tiling_on_sc=False),
)
def _gather_kernel(idx_hbm, table_hbm, out_hbm, idx_v, *bufs_and_sems):
    rows = bufs_and_sems[:_NBUF]
    gsem = bufs_and_sems[_NBUF:2 * _NBUF]
    wsem = bufs_and_sems[2 * _NBUF:]

    wid = lax.axis_index("s") * 2 + lax.axis_index("c")
    base = wid * _B_PER_W

    pltpu.sync_copy(idx_hbm.at[pl.ds(base, _B_PER_W)], idx_v)

    def gather_copy(i, b):
        return pltpu.make_async_copy(
            table_hbm.at[idx_v.at[pl.ds(i * _CHUNK, _CHUNK)]],
            rows[b],
            gsem[b],
        )

    def write_copy(i, b):
        return pltpu.make_async_copy(
            rows[b],
            out_hbm.at[pl.ds(base + i * _CHUNK, _CHUNK)],
            wsem[b],
        )

    for b in range(_NBUF):
        gather_copy(b, b).start()

    @pl.loop(0, _NGRP)
    def _grp(g):
        for b in range(_NBUF):
            i = g * _NBUF + b
            gather_copy(i, b).wait()
            write_copy(i, b).start()
        for b in range(_NBUF):
            i = g * _NBUF + b
            write_copy(i, b).wait()

            @pl.when(g < _NGRP - 1)
            def _():
                gather_copy(i + _NBUF, b).start()


def kernel(idx, table):
    lin128 = _transpose_table(table.T)
    lin = lin128.reshape(_VPAD, _N_EMBD)
    v = jnp.swapaxes(idx, 0, 1).reshape(_T, 4, _B // 4)
    v = jnp.transpose(v, (0, 2, 1)).reshape(-1)
    flat_idx = ((v >> 13) << 13) + ((v & 2047) << 2) + ((v >> 11) & 3)
    rows = _gather_kernel(flat_idx, lin)
    out2 = _transpose_out(rows.reshape(_B_TOTAL * _N_EMBD // 128, 128))
    return jnp.transpose(out2.reshape(_T, _N_EMBD, _B), (2, 0, 1))

# --- scband reference (transcript-rebuilt; emitter-appended) ---
"""Pipeline reference for scband-embedding-50525995270511 (READ-ONLY COPY).

The authoritative reference and input builder live on the scoring server;
editing this copy changes nothing except your own understanding.
"""

import jax, jax.numpy as jnp
import numpy as np

VOCAB = 1000000
N_EMBD = 32

def setup_inputs(seed: int = 0) -> dict:
    key = jax.random.key(seed)
    k_idx, k_tab = jax.random.split(key)
    idx = jax.random.randint(k_idx, (4096, 200), 0, VOCAB, dtype=jnp.int64 if jax.config.jax_enable_x64 else jnp.int32)
    table = jax.random.normal(k_tab, (VOCAB, N_EMBD), dtype=jnp.float32)
    return {"idx": idx, "table": table}

def reference(idx, table):
    # nn.Embedding forward: gather rows of the embedding table
    return jnp.take(table, idx, axis=0)

if __name__ == "__main__":
    import jax
    _d = setup_inputs()
    print(jax.jit(kernel)(*tuple(_d.values())))

</pallas_src>

<mosaic_0001>
#map = affine_map<(d0, d1) -> (0)>
#map1 = affine_map<(d0, d1) -> (0, 0)>
module attributes {stable_mosaic.version = 14 : i64} {
  func.func @_gather_kernel(%arg0: i32, %arg1: i32, %arg2: memref<819200xi32, #tpu.memory_space<hbm>>, %arg3: memref<1007616x32xf32, #tpu.memory_space<hbm>>, %arg4: memref<819200x32xf32, #tpu.memory_space<hbm>>, %arg5: memref<25600xi32, #tpu.memory_space<vmem>>, %arg6: memref<640x32xf32, #tpu.memory_space<vmem>>, %arg7: memref<640x32xf32, #tpu.memory_space<vmem>>, %arg8: memref<640x32xf32, #tpu.memory_space<vmem>>, %arg9: memref<640x32xf32, #tpu.memory_space<vmem>>, %arg10: memref<!tpu.dma_semaphore, #tpu.memory_space<semaphore_mem>>, %arg11: memref<!tpu.dma_semaphore, #tpu.memory_space<semaphore_mem>>, %arg12: memref<!tpu.dma_semaphore, #tpu.memory_space<semaphore_mem>>, %arg13: memref<!tpu.dma_semaphore, #tpu.memory_space<semaphore_mem>>, %arg14: memref<!tpu.dma_semaphore, #tpu.memory_space<semaphore_mem>>, %arg15: memref<!tpu.dma_semaphore, #tpu.memory_space<semaphore_mem>>, %arg16: memref<!tpu.dma_semaphore, #tpu.memory_space<semaphore_mem>>, %arg17: memref<!tpu.dma_semaphore, #tpu.memory_space<semaphore_mem>>) attributes {dimension_semantics = [#tpu.dimension_semantics<core_parallel>, #tpu.dimension_semantics<subcore_parallel>], iteration_bounds = array<i64: 2, 16>, scalar_prefetch = 0 : i64, scratch_operands = 13 : i64, tpu.core_type = #tpu.core_type<sc_vector_subcore>, window_params = [{transform_indices = #map}, {transform_indices = #map1}, {transform_indices = #map1}]} {
    %mul3A = arith.constant 2 : i32
    %mul3A_0 = arith.muli %arg1, %mul3A : i32
    %add3A = arith.addi %mul3A_0, %arg0 : i32
    %mul3A_1 = arith.constant 25600 : i32
    %mul3A_2 = arith.muli %add3A, %mul3A_1 : i32
    "tpu.region"() ({
      %run_scoped3A = tpu.sem_alloc : memref<!tpu.dma_semaphore, #tpu.memory_space<semaphore_mem>>
      %dma_start3A_26 = tpu.memref_slice %arg2[%mul3A_2] : memref<819200xi32, #tpu.memory_space<hbm>> -> memref<25600xi32, #tpu.memory_space<hbm>>
      %dma_start3A_27 = tpu.memref_slice %arg2[%mul3A_2] : memref<819200xi32, #tpu.memory_space<hbm>> -> memref<25600xi32, #tpu.memory_space<hbm>>
      tpu.enqueue_dma source(%dma_start3A_27 : memref<25600xi32, #tpu.memory_space<hbm>>) target(%arg5 : memref<25600xi32, #tpu.memory_space<vmem>>) target_semaphore(%run_scoped3A : memref<!tpu.dma_semaphore, #tpu.memory_space<semaphore_mem>>)
      %dma_wait3A = tpu.memref_slice %arg2[%mul3A_2] : memref<819200xi32, #tpu.memory_space<hbm>> -> memref<25600xi32, #tpu.memory_space<hbm>>
      %dma_wait3A_28 = tpu.memref_slice %arg2[%mul3A_2] : memref<819200xi32, #tpu.memory_space<hbm>> -> memref<25600xi32, #tpu.memory_space<hbm>>
      tpu.wait_dma2 semaphore(%run_scoped3A : memref<!tpu.dma_semaphore, #tpu.memory_space<semaphore_mem>>) src(%dma_wait3A_28 : memref<25600xi32, #tpu.memory_space<hbm>>) dst(%arg5 : memref<25600xi32, #tpu.memory_space<vmem>>)
      tpu.yield
    }) : () -> ()
    %dma_start3A = arith.constant 0 : i32
    %dma_start3A_3 = tpu.memref_slice %arg5[%dma_start3A] : memref<25600xi32, #tpu.memory_space<vmem>> -> memref<640xi32, #tpu.memory_space<vmem>>
    %dma_start3A_4 = arith.constant 0 : i32
    %dma_start3A_5 = arith.constant 0 : i32
    %dma_start3A_6 = tpu.memref_slice %arg3[%dma_start3A_4, %dma_start3A_5] : memref<1007616x32xf32, #tpu.memory_space<hbm>> -> memref<1007616x32xf32, #tpu.memory_space<hbm>>
    tpu.enqueue_indirect_dma source(%dma_start3A_6 : memref<1007616x32xf32, #tpu.memory_space<hbm>>) target(%arg6 : memref<640x32xf32, #tpu.memory_space<vmem>>) offsets(%dma_start3A_3 : memref<640xi32, #tpu.memory_space<vmem>>) semaphore(%arg10 : memref<!tpu.dma_semaphore, #tpu.memory_space<semaphore_mem>>)
    %dma_start3A_7 = arith.constant 640 : i32
    %dma_start3A_8 = tpu.memref_slice %arg5[%dma_start3A_7] : memref<25600xi32, #tpu.memory_space<vmem>> -> memref<640xi32, #tpu.memory_space<vmem>>
    %dma_start3A_9 = arith.constant 0 : i32
    %dma_start3A_10 = arith.constant 0 : i32
    %dma_start3A_11 = tpu.memref_slice %arg3[%dma_start3A_9, %dma_start3A_10] : memref<1007616x32xf32, #tpu.memory_space<hbm>> -> memref<1007616x32xf32, #tpu.memory_space<hbm>>
    tpu.enqueue_indirect_dma source(%dma_start3A_11 : memref<1007616x32xf32, #tpu.memory_space<hbm>>) target(%arg7 : memref<640x32xf32, #tpu.memory_space<vmem>>) offsets(%dma_start3A_8 : memref<640xi32, #tpu.memory_space<vmem>>) semaphore(%arg11 : memref<!tpu.dma_semaphore, #tpu.memory_space<semaphore_mem>>)
    %dma_start3A_12 = arith.constant 1280 : i32
    %dma_start3A_13 = tpu.memref_slice %arg5[%dma_start3A_12] : memref<25600xi32, #tpu.memory_space<vmem>> -> memref<640xi32, #tpu.memory_space<vmem>>
    %dma_start3A_14 = arith.constant 0 : i32
    %dma_start3A_15 = arith.constant 0 : i32
    %dma_start3A_16 = tpu.memref_slice %arg3[%dma_start3A_14, %dma_start3A_15] : memref<1007616x32xf32, #tpu.memory_space<hbm>> -> memref<1007616x32xf32, #tpu.memory_space<hbm>>
    tpu.enqueue_indirect_dma source(%dma_start3A_16 : memref<1007616x32xf32, #tpu.memory_space<hbm>>) target(%arg8 : memref<640x32xf32, #tpu.memory_space<vmem>>) offsets(%dma_start3A_13 : memref<640xi32, #tpu.memory_space<vmem>>) semaphore(%arg12 : memref<!tpu.dma_semaphore, #tpu.memory_space<semaphore_mem>>)
    %dma_start3A_17 = arith.constant 1920 : i32
    %dma_start3A_18 = tpu.memref_slice %arg5[%dma_start3A_17] : memref<25600xi32, #tpu.memory_space<vmem>> -> memref<640xi32, #tpu.memory_space<vmem>>
    %dma_start3A_19 = arith.constant 0 : i32
    %dma_start3A_20 = arith.constant 0 : i32
    %dma_start3A_21 = tpu.memref_slice %arg3[%dma_start3A_19, %dma_start3A_20] : memref<1007616x32xf32, #tpu.memory_space<hbm>> -> memref<1007616x32xf32, #tpu.memory_space<hbm>>
    tpu.enqueue_indirect_dma source(%dma_start3A_21 : memref<1007616x32xf32, #tpu.memory_space<hbm>>) target(%arg9 : memref<640x32xf32, #tpu.memory_space<vmem>>) offsets(%dma_start3A_18 : memref<640xi32, #tpu.memory_space<vmem>>) semaphore(%arg13 : memref<!tpu.dma_semaphore, #tpu.memory_space<semaphore_mem>>)
    %scan3A = arith.constant 0 : i32
    %scan3A_22 = arith.constant 10 : i32
    %scan3A_23 = arith.addi %scan3A, %scan3A_22 : i32
    %scan3A_24 = arith.constant 1 : i32
    scf.for %scan3A_26 = %scan3A to %scan3A_23 step %scan3A_24  : i32 {
      %mul3A_27 = arith.constant 1 : i32
      %mul3A_28 = arith.muli %scan3A_26, %mul3A_27 : i32
      %add3A_29 = arith.constant 0 : i32
      %add3A_30 = arith.addi %add3A_29, %mul3A_28 : i32
      %mul3A_31 = arith.constant 4 : i32
      %mul3A_32 = arith.muli %add3A_30, %mul3A_31 : i32
      %add3A_33 = arith.constant 0 : i32
      %add3A_34 = arith.addi %mul3A_32, %add3A_33 : i32
      %mul3A_35 = arith.constant 640 : i32
      %mul3A_36 = arith.muli %add3A_34, %mul3A_35 : i32
      %dma_wait3A = tpu.memref_slice %arg5[%mul3A_36] : memref<25600xi32, #tpu.memory_space<vmem>> -> memref<640xi32, #tpu.memory_space<vmem>>
      %dma_wait3A_37 = arith.constant 0 : i32
      %dma_wait3A_38 = arith.constant 0 : i32
      %dma_wait3A_39 = tpu.memref_slice %arg3[%dma_wait3A_37, %dma_wait3A_38] : memref<1007616x32xf32, #tpu.memory_space<hbm>> -> memref<1007616x32xf32, #tpu.memory_space<hbm>>
      tpu.wait_indirect_dma semaphore(%arg10 : memref<!tpu.dma_semaphore, #tpu.memory_space<semaphore_mem>>) src(%dma_wait3A_39 : memref<1007616x32xf32, #tpu.memory_space<hbm>>) dst(%arg6 : memref<640x32xf32, #tpu.memory_space<vmem>>)
      %mul3A_40 = arith.constant 640 : i32
      %mul3A_41 = arith.muli %add3A_34, %mul3A_40 : i32
      %add3A_42 = arith.addi %mul3A_2, %mul3A_41 : i32
      %dma_start3A_43 = arith.constant 0 : i32
      %dma_start3A_44 = tpu.memref_slice %arg4[%add3A_42, %dma_start3A_43] : memref<819200x32xf32, #tpu.memory_space<hbm>> -> memref<640x32xf32, #tpu.memory_space<hbm>>
      %dma_start3A_45 = arith.constant 0 : i32
      %dma_start3A_46 = tpu.memref_slice %arg4[%add3A_42, %dma_start3A_45] : memref<819200x32xf32, #tpu.memory_space<hbm>> -> memref<640x32xf32, #tpu.memory_space<hbm>>
      tpu.enqueue_dma source(%arg6 : memref<640x32xf32, #tpu.memory_space<vmem>>) target(%dma_start3A_46 : memref<640x32xf32, #tpu.memory_space<hbm>>) target_semaphore(%arg14 : memref<!tpu.dma_semaphore, #tpu.memory_space<semaphore_mem>>)
      %mul3A_47 = arith.constant 4 : i32
      %mul3A_48 = arith.muli %add3A_30, %mul3A_47 : i32
      %add3A_49 = arith.constant 1 : i32
      %add3A_50 = arith.addi %mul3A_48, %add3A_49 : i32
      %mul3A_51 = arith.constant 640 : i32
      %mul3A_52 = arith.muli %add3A_50, %mul3A_51 : i32
      %dma_wait3A_53 = tpu.memref_slice %arg5[%mul3A_52] : memref<25600xi32, #tpu.memory_space<vmem>> -> memref<640xi32, #tpu.memory_space<vmem>>
      %dma_wait3A_54 = arith.constant 0 : i32
      %dma_wait3A_55 = arith.constant 0 : i32
      %dma_wait3A_56 = tpu.memref_slice %arg3[%dma_wait3A_54, %dma_wait3A_55] : memref<1007616x32xf32, #tpu.memory_space<hbm>> -> memref<1007616x32xf32, #tpu.memory_space<hbm>>
      tpu.wait_indirect_dma semaphore(%arg11 : memref<!tpu.dma_semaphore, #tpu.memory_space<semaphore_mem>>) src(%dma_wait3A_56 : memref<1007616x32xf32, #tpu.memory_space<hbm>>) dst(%arg7 : memref<640x32xf32, #tpu.memory_space<vmem>>)
      %mul3A_57 = arith.constant 640 : i32
      %mul3A_58 = arith.muli %add3A_50, %mul3A_57 : i32
      %add3A_59 = arith.addi %mul3A_2, %mul3A_58 : i32
      %dma_start3A_60 = arith.constant 0 : i32
      %dma_start3A_61 = tpu.memref_slice %arg4[%add3A_59, %dma_start3A_60] : memref<819200x32xf32, #tpu.memory_space<hbm>> -> memref<640x32xf32, #tpu.memory_space<hbm>>
      %dma_start3A_62 = arith.constant 0 : i32
      %dma_start3A_63 = tpu.memref_slice %arg4[%add3A_59, %dma_start3A_62] : memref<819200x32xf32, #tpu.memory_space<hbm>> -> memref<640x32xf32, #tpu.memory_space<hbm>>
      tpu.enqueue_dma source(%arg7 : memref<640x32xf32, #tpu.memory_space<vmem>>) target(%dma_start3A_63 : memref<640x32xf32, #tpu.memory_space<hbm>>) target_semaphore(%arg15 : memref<!tpu.dma_semaphore, #tpu.memory_space<semaphore_mem>>)
      %mul3A_64 = arith.constant 4 : i32
      %mul3A_65 = arith.muli %add3A_30, %mul3A_64 : i32
      %add3A_66 = arith.constant 2 : i32
      %add3A_67 = arith.addi %mul3A_65, %add3A_66 : i32
      %mul3A_68 = arith.constant 640 : i32
      %mul3A_69 = arith.muli %add3A_67, %mul3A_68 : i32
      %dma_wait3A_70 = tpu.memref_slice %arg5[%mul3A_69] : memref<25600xi32, #tpu.memory_space<vmem>> -> memref<640xi32, #tpu.memory_space<vmem>>
      %dma_wait3A_71 = arith.constant 0 : i32
      %dma_wait3A_72 = arith.constant 0 : i32
      %dma_wait3A_73 = tpu.memref_slice %arg3[%dma_wait3A_71, %dma_wait3A_72] : memref<1007616x32xf32, #tpu.memory_space<hbm>> -> memref<1007616x32xf32, #tpu.memory_space<hbm>>
      tpu.wait_indirect_dma semaphore(%arg12 : memref<!tpu.dma_semaphore, #tpu.memory_space<semaphore_mem>>) src(%dma_wait3A_73 : memref<1007616x32xf32, #tpu.memory_space<hbm>>) dst(%arg8 : memref<640x32xf32, #tpu.memory_space<vmem>>)
      %mul3A_74 = arith.constant 640 : i32
      %mul3A_75 = arith.muli %add3A_67, %mul3A_74 : i32
      %add3A_76 = arith.addi %mul3A_2, %mul3A_75 : i32
      %dma_start3A_77 = arith.constant 0 : i32
      %dma_start3A_78 = tpu.memref_slice %arg4[%add3A_76, %dma_start3A_77] : memref<819200x32xf32, #tpu.memory_space<hbm>> -> memref<640x32xf32, #tpu.memory_space<hbm>>
      %dma_start3A_79 = arith.constant 0 : i32
      %dma_start3A_80 = tpu.memref_slice %arg4[%add3A_76, %dma_start3A_79] : memref<819200x32xf32, #tpu.memory_space<hbm>> -> memref<640x32xf32, #tpu.memory_space<hbm>>
      tpu.enqueue_dma source(%arg8 : memref<640x32xf32, #tpu.memory_space<vmem>>) target(%dma_start3A_80 : memref<640x32xf32, #tpu.memory_space<hbm>>) target_semaphore(%arg16 : memref<!tpu.dma_semaphore, #tpu.memory_space<semaphore_mem>>)
      %mul3A_81 = arith.constant 4 : i32
      %mul3A_82 = arith.muli %add3A_30, %mul3A_81 : i32
      %add3A_83 = arith.constant 3 : i32
      %add3A_84 = arith.addi %mul3A_82, %add3A_83 : i32
      %mul3A_85 = arith.constant 640 : i32
      %mul3A_86 = arith.muli %add3A_84, %mul3A_85 : i32
      %dma_wait3A_87 = tpu.memref_slice %arg5[%mul3A_86] : memref<25600xi32, #tpu.memory_space<vmem>> -> memref<640xi32, #tpu.memory_space<vmem>>
      %dma_wait3A_88 = arith.constant 0 : i32
      %dma_wait3A_89 = arith.constant 0 : i32
      %dma_wait3A_90 = tpu.memref_slice %arg3[%dma_wait3A_88, %dma_wait3A_89] : memref<1007616x32xf32, #tpu.memory_space<hbm>> -> memref<1007616x32xf32, #tpu.memory_space<hbm>>
      tpu.wait_indirect_dma semaphore(%arg13 : memref<!tpu.dma_semaphore, #tpu.memory_space<semaphore_mem>>) src(%dma_wait3A_90 : memref<1007616x32xf32, #tpu.memory_space<hbm>>) dst(%arg9 : memref<640x32xf32, #tpu.memory_space<vmem>>)
      %mul3A_91 = arith.constant 640 : i32
      %mul3A_92 = arith.muli %add3A_84, %mul3A_91 : i32
      %add3A_93 = arith.addi %mul3A_2, %mul3A_92 : i32
      %dma_start3A_94 = arith.constant 0 : i32
      %dma_start3A_95 = tpu.memref_slice %arg4[%add3A_93, %dma_start3A_94] : memref<819200x32xf32, #tpu.memory_space<hbm>> -> memref<640x32xf32, #tpu.memory_space<hbm>>
      %dma_start3A_96 = arith.constant 0 : i32
      %dma_start3A_97 = tpu.memref_slice %arg4[%add3A_93, %dma_start3A_96] : memref<819200x32xf32, #tpu.memory_space<hbm>> -> memref<640x32xf32, #tpu.memory_space<hbm>>
      tpu.enqueue_dma source(%arg9 : memref<640x32xf32, #tpu.memory_space<vmem>>) target(%dma_start3A_97 : memref<640x32xf32, #tpu.memory_space<hbm>>) target_semaphore(%arg17 : memref<!tpu.dma_semaphore, #tpu.memory_space<semaphore_mem>>)
      %mul3A_98 = arith.constant 4 : i32
      %mul3A_99 = arith.muli %add3A_30, %mul3A_98 : i32
      %add3A_100 = arith.constant 0 : i32
      %add3A_101 = arith.addi %mul3A_99, %add3A_100 : i32
      %mul3A_102 = arith.constant 640 : i32
      %mul3A_103 = arith.muli %add3A_101, %mul3A_102 : i32
      %add3A_104 = arith.addi %mul3A_2, %mul3A_103 : i32
      %dma_wait3A_105 = arith.constant 0 : i32
      %dma_wait3A_106 = tpu.memref_slice %arg4[%add3A_104, %dma_wait3A_105] : memref<819200x32xf32, #tpu.memory_space<hbm>> -> memref<640x32xf32, #tpu.memory_space<hbm>>
      %dma_wait3A_107 = arith.constant 0 : i32
      %dma_wait3A_108 = tpu.memref_slice %arg4[%add3A_104, %dma_wait3A_107] : memref<819200x32xf32, #tpu.memory_space<hbm>> -> memref<640x32xf32, #tpu.memory_space<hbm>>
      tpu.wait_dma2 semaphore(%arg14 : memref<!tpu.dma_semaphore, #tpu.memory_space<semaphore_mem>>) src(%arg6 : memref<640x32xf32, #tpu.memory_space<vmem>>) dst(%dma_wait3A_108 : memref<640x32xf32, #tpu.memory_space<hbm>>)
      %lt3A = arith.constant 9 : i32
      %lt3A_109 = arith.cmpi slt, %add3A_30, %lt3A : i32
      %convert_element_type3A = arith.extui %lt3A_109 : i1 to i32
      %cond3A = arith.constant 0 : i32
      %cond3A_110 = arith.cmpi ne, %convert_element_type3A, %cond3A : i32
      scf.if %cond3A_110 {
        %add3A_159 = arith.constant 4 : i32
        %add3A_160 = arith.addi %add3A_101, %add3A_159 : i32
        %mul3A_161 = arith.constant 640 : i32
        %mul3A_162 = arith.muli %add3A_160, %mul3A_161 : i32
        %dma_start3A_163 = tpu.memref_slice %arg5[%mul3A_162] : memref<25600xi32, #tpu.memory_space<vmem>> -> memref<640xi32, #tpu.memory_space<vmem>>
        %dma_start3A_164 = arith.constant 0 : i32
        %dma_start3A_165 = arith.constant 0 : i32
        %dma_start3A_166 = tpu.memref_slice %arg3[%dma_start3A_164, %dma_start3A_165] : memref<1007616x32xf32, #tpu.memory_space<hbm>> -> memref<1007616x32xf32, #tpu.memory_space<hbm>>
        tpu.enqueue_indirect_dma source(%dma_start3A_166 : memref<1007616x32xf32, #tpu.memory_space<hbm>>) target(%arg6 : memref<640x32xf32, #tpu.memory_space<vmem>>) offsets(%dma_start3A_163 : memref<640xi32, #tpu.memory_space<vmem>>) semaphore(%arg10 : memref<!tpu.dma_semaphore, #tpu.memory_space<semaphore_mem>>)
      } else {
      }
      %mul3A_111 = arith.constant 4 : i32
      %mul3A_112 = arith.muli %add3A_30, %mul3A_111 : i32
      %add3A_113 = arith.constant 1 : i32
      %add3A_114 = arith.addi %mul3A_112, %add3A_113 : i32
      %mul3A_115 = arith.constant 640 : i32
      %mul3A_116 = arith.muli %add3A_114, %mul3A_115 : i32
      %add3A_117 = arith.addi %mul3A_2, %mul3A_116 : i32
      %dma_wait3A_118 = arith.constant 0 : i32
      %dma_wait3A_119 = tpu.memref_slice %arg4[%add3A_117, %dma_wait3A_118] : memref<819200x32xf32, #tpu.memory_space<hbm>> -> memref<640x32xf32, #tpu.memory_space<hbm>>
      %dma_wait3A_120 = arith.constant 0 : i32
      %dma_wait3A_121 = tpu.memref_slice %arg4[%add3A_117, %dma_wait3A_120] : memref<819200x32xf32, #tpu.memory_space<hbm>> -> memref<640x32xf32, #tpu.memory_space<hbm>>
      tpu.wait_dma2 semaphore(%arg15 : memref<!tpu.dma_semaphore, #tpu.memory_space<semaphore_mem>>) src(%arg7 : memref<640x32xf32, #tpu.memory_space<vmem>>) dst(%dma_wait3A_121 : memref<640x32xf32, #tpu.memory_space<hbm>>)
      %lt3A_122 = arith.constant 9 : i32
      %lt3A_123 = arith.cmpi slt, %add3A_30, %lt3A_122 : i32
      %convert_element_type3A_124 = arith.extui %lt3A_123 : i1 to i32
      %cond3A_125 = arith.constant 0 : i32
      %cond3A_126 = arith.cmpi ne, %convert_element_type3A_124, %cond3A_125 : i32
      scf.if %cond3A_126 {
        %add3A_159 = arith.constant 4 : i32
        %add3A_160 = arith.addi %add3A_114, %add3A_159 : i32
        %mul3A_161 = arith.constant 640 : i32
        %mul3A_162 = arith.muli %add3A_160, %mul3A_161 : i32
        %dma_start3A_163 = tpu.memref_slice %arg5[%mul3A_162] : memref<25600xi32, #tpu.memory_space<vmem>> -> memref<640xi32, #tpu.memory_space<vmem>>
        %dma_start3A_164 = arith.constant 0 : i32
        %dma_start3A_165 = arith.constant 0 : i32
        %dma_start3A_166 = tpu.memref_slice %arg3[%dma_start3A_164, %dma_start3A_165] : memref<1007616x32xf32, #tpu.memory_space<hbm>> -> memref<1007616x32xf32, #tpu.memory_space<hbm>>
        tpu.enqueue_indirect_dma source(%dma_start3A_166 : memref<1007616x32xf32, #tpu.memory_space<hbm>>) target(%arg7 : memref<640x32xf32, #tpu.memory_space<vmem>>) offsets(%dma_start3A_163 : memref<640xi32, #tpu.memory_space<vmem>>) semaphore(%arg11 : memref<!tpu.dma_semaphore, #tpu.memory_space<semaphore_mem>>)
      } else {
      }
      %mul3A_127 = arith.constant 4 : i32
      %mul3A_128 = arith.muli %add3A_30, %mul3A_127 : i32
      %add3A_129 = arith.constant 2 : i32
      %add3A_130 = arith.addi %mul3A_128, %add3A_129 : i32
      %mul3A_131 = arith.constant 640 : i32
      %mul3A_132 = arith.muli %add3A_130, %mul3A_131 : i32
      %add3A_133 = arith.addi %mul3A_2, %mul3A_132 : i32
      %dma_wait3A_134 = arith.constant 0 : i32
      %dma_wait3A_135 = tpu.memref_slice %arg4[%add3A_133, %dma_wait3A_134] : memref<819200x32xf32, #tpu.memory_space<hbm>> -> memref<640x32xf32, #tpu.memory_space<hbm>>
      %dma_wait3A_136 = arith.constant 0 : i32
      %dma_wait3A_137 = tpu.memref_slice %arg4[%add3A_133, %dma_wait3A_136] : memref<819200x32xf32, #tpu.memory_space<hbm>> -> memref<640x32xf32, #tpu.memory_space<hbm>>
      tpu.wait_dma2 semaphore(%arg16 : memref<!tpu.dma_semaphore, #tpu.memory_space<semaphore_mem>>) src(%arg8 : memref<640x32xf32, #tpu.memory_space<vmem>>) dst(%dma_wait3A_137 : memref<640x32xf32, #tpu.memory_space<hbm>>)
      %lt3A_138 = arith.constant 9 : i32
      %lt3A_139 = arith.cmpi slt, %add3A_30, %lt3A_138 : i32
      %convert_element_type3A_140 = arith.extui %lt3A_139 : i1 to i32
      %cond3A_141 = arith.constant 0 : i32
      %cond3A_142 = arith.cmpi ne, %convert_element_type3A_140, %cond3A_141 : i32
      scf.if %cond3A_142 {
        %add3A_159 = arith.constant 4 : i32
        %add3A_160 = arith.addi %add3A_130, %add3A_159 : i32
        %mul3A_161 = arith.constant 640 : i32
        %mul3A_162 = arith.muli %add3A_160, %mul3A_161 : i32
        %dma_start3A_163 = tpu.memref_slice %arg5[%mul3A_162] : memref<25600xi32, #tpu.memory_space<vmem>> -> memref<640xi32, #tpu.memory_space<vmem>>
        %dma_start3A_164 = arith.constant 0 : i32
        %dma_start3A_165 = arith.constant 0 : i32
        %dma_start3A_166 = tpu.memref_slice %arg3[%dma_start3A_164, %dma_start3A_165] : memref<1007616x32xf32, #tpu.memory_space<hbm>> -> memref<1007616x32xf32, #tpu.memory_space<hbm>>
        tpu.enqueue_indirect_dma source(%dma_start3A_166 : memref<1007616x32xf32, #tpu.memory_space<hbm>>) target(%arg8 : memref<640x32xf32, #tpu.memory_space<vmem>>) offsets(%dma_start3A_163 : memref<640xi32, #tpu.memory_space<vmem>>) semaphore(%arg12 : memref<!tpu.dma_semaphore, #tpu.memory_space<semaphore_mem>>)
      } else {
      }
      %mul3A_143 = arith.constant 4 : i32
      %mul3A_144 = arith.muli %add3A_30, %mul3A_143 : i32
      %add3A_145 = arith.constant 3 : i32
      %add3A_146 = arith.addi %mul3A_144, %add3A_145 : i32
      %mul3A_147 = arith.constant 640 : i32
      %mul3A_148 = arith.muli %add3A_146, %mul3A_147 : i32
      %add3A_149 = arith.addi %mul3A_2, %mul3A_148 : i32
      %dma_wait3A_150 = arith.constant 0 : i32
      %dma_wait3A_151 = tpu.memref_slice %arg4[%add3A_149, %dma_wait3A_150] : memref<819200x32xf32, #tpu.memory_space<hbm>> -> memref<640x32xf32, #tpu.memory_space<hbm>>
      %dma_wait3A_152 = arith.constant 0 : i32
      %dma_wait3A_153 = tpu.memref_slice %arg4[%add3A_149, %dma_wait3A_152] : memref<819200x32xf32, #tpu.memory_space<hbm>> -> memref<640x32xf32, #tpu.memory_space<hbm>>
      tpu.wait_dma2 semaphore(%arg17 : memref<!tpu.dma_semaphore, #tpu.memory_space<semaphore_mem>>) src(%arg9 : memref<640x32xf32, #tpu.memory_space<vmem>>) dst(%dma_wait3A_153 : memref<640x32xf32, #tpu.memory_space<hbm>>)
      %lt3A_154 = arith.constant 9 : i32
      %lt3A_155 = arith.cmpi slt, %add3A_30, %lt3A_154 : i32
      %convert_element_type3A_156 = arith.extui %lt3A_155 : i1 to i32
      %cond3A_157 = arith.constant 0 : i32
      %cond3A_158 = arith.cmpi ne, %convert_element_type3A_156, %cond3A_157 : i32
      scf.if %cond3A_158 {
        %add3A_159 = arith.constant 4 : i32
        %add3A_160 = arith.addi %add3A_146, %add3A_159 : i32
        %mul3A_161 = arith.constant 640 : i32
        %mul3A_162 = arith.muli %add3A_160, %mul3A_161 : i32
        %dma_start3A_163 = tpu.memref_slice %arg5[%mul3A_162] : memref<25600xi32, #tpu.memory_space<vmem>> -> memref<640xi32, #tpu.memory_space<vmem>>
        %dma_start3A_164 = arith.constant 0 : i32
        %dma_start3A_165 = arith.constant 0 : i32
        %dma_start3A_166 = tpu.memref_slice %arg3[%dma_start3A_164, %dma_start3A_165] : memref<1007616x32xf32, #tpu.memory_space<hbm>> -> memref<1007616x32xf32, #tpu.memory_space<hbm>>
        tpu.enqueue_indirect_dma source(%dma_start3A_166 : memref<1007616x32xf32, #tpu.memory_space<hbm>>) target(%arg9 : memref<640x32xf32, #tpu.memory_space<vmem>>) offsets(%dma_start3A_163 : memref<640xi32, #tpu.memory_space<vmem>>) semaphore(%arg13 : memref<!tpu.dma_semaphore, #tpu.memory_space<semaphore_mem>>)
      } else {
      }
    }
    %scan3A_25 = arith.constant 10 : i32
    return
  }
}

module attributes {stable_mosaic.version = 14 : i64} {
  func.func @_transpose_table_body(%arg0: i32, %arg1: memref<32x2048xf32, #tpu.memory_space<vmem>>, %arg2: memref<32x2048xf32, #tpu.memory_space<vmem>>, %arg3: memref<32x2048xf32, #tpu.memory_space<vmem>>, %arg4: memref<32x2048xf32, #tpu.memory_space<vmem>>, %arg5: memref<2048x128xf32, #tpu.memory_space<vmem>>) attributes {dimension_semantics = [#tpu.dimension_semantics<arbitrary>], iteration_bounds = array<i64: 123>, scalar_prefetch = 0 : i64, scratch_operands = 0 : i64, tpu.core_type = #tpu.core_type<tc>, window_params = [{transform_indices = @transform_0, window_bounds = array<i64: 32, 2048>}, {transform_indices = @transform_1, window_bounds = array<i64: 32, 2048>}, {transform_indices = @transform_2, window_bounds = array<i64: 32, 2048>}, {transform_indices = @transform_3, window_bounds = array<i64: 32, 2048>}, {transform_indices = @transform_4, window_bounds = array<i64: 2048, 128>}]} {
    %get3A = arith.constant 0 : index
    %get3A_0 = arith.constant 0 : index
    %get3A_1 = vector.load %arg1[%get3A, %get3A_0] : memref<32x2048xf32, #tpu.memory_space<vmem>>, vector<32x2048xf32>
    %get3A_2 = arith.constant 0 : index
    %get3A_3 = arith.constant 0 : index
    %get3A_4 = vector.load %arg2[%get3A_2, %get3A_3] : memref<32x2048xf32, #tpu.memory_space<vmem>>, vector<32x2048xf32>
    %get3A_5 = arith.constant 0 : index
    %get3A_6 = arith.constant 0 : index
    %get3A_7 = vector.load %arg3[%get3A_5, %get3A_6] : memref<32x2048xf32, #tpu.memory_space<vmem>>, vector<32x2048xf32>
    %get3A_8 = arith.constant 0 : index
    %get3A_9 = arith.constant 0 : index
    %get3A_10 = vector.load %arg4[%get3A_8, %get3A_9] : memref<32x2048xf32, #tpu.memory_space<vmem>>, vector<32x2048xf32>
    %concatenate3A = tpu.concatenate %get3A_1, %get3A_4, %get3A_7, %get3A_10 in 0 : vector<32x2048xf32>, vector<32x2048xf32>, vector<32x2048xf32>, vector<32x2048xf32> -> vector<128x2048xf32>
    %transpose3A = tpu.transpose %concatenate3A, [1, 0] : vector<128x2048xf32> -> vector<2048x128xf32>
    %swap3A = arith.constant 0 : index
    %swap3A_11 = arith.constant 0 : index
    %swap3A_12 = vector.load %arg5[%swap3A, %swap3A_11] : memref<2048x128xf32, #tpu.memory_space<vmem>>, vector<2048x128xf32>
    tpu.vector_store %arg5[%swap3A, %swap3A_11], %transpose3A {strides = array<i32>} : memref<2048x128xf32, #tpu.memory_space<vmem>>, vector<2048x128xf32>,
    return
  }
  func.func @transform_0(%arg0: i32) -> (i32, i32) {
    %mul3A = arith.constant 4 : i32
    %mul3A_0 = arith.muli %mul3A, %arg0 : i32
    %add3A = arith.constant 0 : i32
    %add3A_1 = arith.addi %mul3A_0, %add3A : i32
    %min3A = arith.constant 488 : i32
    %min3A_2 = arith.minsi %add3A_1, %min3A : i32
    %c0_i32 = arith.constant 0 : i32
    %c0_i32_3 = arith.constant 0 : i32
    return %c0_i32, %min3A_2 : i32, i32
  }
  func.func @transform_1(%arg0: i32) -> (i32, i32) {
    %mul3A = arith.constant 4 : i32
    %mul3A_0 = arith.muli %mul3A, %arg0 : i32
    %add3A = arith.constant 1 : i32
    %add3A_1 = arith.addi %mul3A_0, %add3A : i32
    %min3A = arith.constant 488 : i32
    %min3A_2 = arith.minsi %add3A_1, %min3A : i32
    %c0_i32 = arith.constant 0 : i32
    %c0_i32_3 = arith.constant 0 : i32
    return %c0_i32, %min3A_2 : i32, i32
  }
  func.func @transform_2(%arg0: i32) -> (i32, i32) {
    %mul3A = arith.constant 4 : i32
    %mul3A_0 = arith.muli %mul3A, %arg0 : i32
    %add3A = arith.constant 2 : i32
    %add3A_1 = arith.addi %mul3A_0, %add3A : i32
    %min3A = arith.constant 488 : i32
    %min3A_2 = arith.minsi %add3A_1, %min3A : i32
    %c0_i32 = arith.constant 0 : i32
    %c0_i32_3 = arith.constant 0 : i32
    return %c0_i32, %min3A_2 : i32, i32
  }
  func.func @transform_3(%arg0: i32) -> (i32, i32) {
    %mul3A = arith.constant 4 : i32
    %mul3A_0 = arith.muli %mul3A, %arg0 : i32
    %add3A = arith.constant 3 : i32
    %add3A_1 = arith.addi %mul3A_0, %add3A : i32
    %min3A = arith.constant 488 : i32
    %min3A_2 = arith.minsi %add3A_1, %min3A : i32
    %c0_i32 = arith.constant 0 : i32
    %c0_i32_3 = arith.constant 0 : i32
    return %c0_i32, %min3A_2 : i32, i32
  }
  func.func @transform_4(%arg0: i32) -> (i32, i32) {
    %c0_i32 = arith.constant 0 : i32
    %c0_i32_0 = arith.constant 0 : i32
    return %arg0, %c0_i32 : i32, i32
  }
}

module attributes {stable_mosaic.version = 14 : i64} {
  func.func @_transpose_out_body(%arg0: i32, %arg1: memref<1024x128xf32, #tpu.memory_space<vmem>>, %arg2: memref<32x4096xf32, #tpu.memory_space<vmem>>) attributes {dimension_semantics = [#tpu.dimension_semantics<arbitrary>], iteration_bounds = array<i64: 200>, scalar_prefetch = 0 : i64, scratch_operands = 0 : i64, tpu.core_type = #tpu.core_type<tc>, window_params = [{transform_indices = @transform_0, window_bounds = array<i64: 1024, 128>}, {transform_indices = @transform_1, window_bounds = array<i64: 32, 4096>}]} {
    %get3A = arith.constant 0 : index
    %get3A_0 = arith.constant 0 : index
    %get3A_1 = vector.load %arg1[%get3A, %get3A_0] : memref<1024x128xf32, #tpu.memory_space<vmem>>, vector<1024x128xf32>
    %slice3A = vector.extract_strided_slice %get3A_1 {offsets = [0, 0], sizes = [1024, 32], strides = [1, 1]} : vector<1024x128xf32> to vector<1024x32xf32>
    %transpose3A = tpu.transpose %slice3A, [1, 0] : vector<1024x32xf32> -> vector<32x1024xf32>
    %swap3A = arith.constant 0 : index
    %swap3A_2 = arith.constant 0 : index
    %swap3A_3 = vector.load %arg2[%swap3A, %swap3A_2] : memref<32x4096xf32, #tpu.memory_space<vmem>>, vector<32x1024xf32>
    tpu.vector_store %arg2[%swap3A, %swap3A_2], %transpose3A {strides = array<i32>} : memref<32x4096xf32, #tpu.memory_space<vmem>>, vector<32x1024xf32>,
    %slice3A_4 = vector.extract_strided_slice %get3A_1 {offsets = [0, 32], sizes = [1024, 32], strides = [1, 1]} : vector<1024x128xf32> to vector<1024x32xf32>
    %transpose3A_5 = tpu.transpose %slice3A_4, [1, 0] : vector<1024x32xf32> -> vector<32x1024xf32>
    %swap3A_6 = arith.constant 0 : index
    %swap3A_7 = arith.constant 1024 : index
    %swap3A_8 = vector.load %arg2[%swap3A_6, %swap3A_7] : memref<32x4096xf32, #tpu.memory_space<vmem>>, vector<32x1024xf32>
    tpu.vector_store %arg2[%swap3A_6, %swap3A_7], %transpose3A_5 {strides = array<i32>} : memref<32x4096xf32, #tpu.memory_space<vmem>>, vector<32x1024xf32>,
    %slice3A_9 = vector.extract_strided_slice %get3A_1 {offsets = [0, 64], sizes = [1024, 32], strides = [1, 1]} : vector<1024x128xf32> to vector<1024x32xf32>
    %transpose3A_10 = tpu.transpose %slice3A_9, [1, 0] : vector<1024x32xf32> -> vector<32x1024xf32>
    %swap3A_11 = arith.constant 0 : index
    %swap3A_12 = arith.constant 2048 : index
    %swap3A_13 = vector.load %arg2[%swap3A_11, %swap3A_12] : memref<32x4096xf32, #tpu.memory_space<vmem>>, vector<32x1024xf32>
    tpu.vector_store %arg2[%swap3A_11, %swap3A_12], %transpose3A_10 {strides = array<i32>} : memref<32x4096xf32, #tpu.memory_space<vmem>>, vector<32x1024xf32>,
    %slice3A_14 = vector.extract_strided_slice %get3A_1 {offsets = [0, 96], sizes = [1024, 32], strides = [1, 1]} : vector<1024x128xf32> to vector<1024x32xf32>
    %transpose3A_15 = tpu.transpose %slice3A_14, [1, 0] : vector<1024x32xf32> -> vector<32x1024xf32>
    %swap3A_16 = arith.constant 0 : index
    %swap3A_17 = arith.constant 3072 : index
    %swap3A_18 = vector.load %arg2[%swap3A_16, %swap3A_17] : memref<32x4096xf32, #tpu.memory_space<vmem>>, vector<32x1024xf32>
    tpu.vector_store %arg2[%swap3A_16, %swap3A_17], %transpose3A_15 {strides = array<i32>} : memref<32x4096xf32, #tpu.memory_space<vmem>>, vector<32x1024xf32>,
    return
  }
  func.func @transform_0(%arg0: i32) -> (i32, i32) {
    %c0_i32 = arith.constant 0 : i32
    %c0_i32_0 = arith.constant 0 : i32
    return %arg0, %c0_i32 : i32, i32
  }
  func.func @transform_1(%arg0: i32) -> (i32, i32) {
    %c0_i32 = arith.constant 0 : i32
    %c0_i32_0 = arith.constant 0 : i32
    return %arg0, %c0_i32 : i32, i32
  }
}

</mosaic_0001>

<sc_bundles>
// kernel: kernel.5.cloned.1.call-start
scs
__scs_entry_jumppad:
0x0: {  	(pc) =	sbr.rel $0x88, $3  }
0x1: {  	(tag) =	ssettag $0x0;
	lr =	simm.s32 $0x1  }
0x2: {  	[smem:$0x3F9F] =	sst lr;
	_ =	strace $0xD0000000  }
0x3: {  	_ = 	snop  }
0x4: {  	_ = 	snop  }
0x5: {  	_ = 	snop  }
0x6: {  	_ = 	snop  }
0x7: {  	_ = 	snop  }
__scs_overlays_trampoline_lowered:
0x8: {  	[smem:$0x3FAE] =	sst s0  }
0x9: {  	[smem:$0x3FAF] =	sst s1  }
0xa: {  	[smem:$0x3FB0] =	sst s2  }
0xb: {  	[smem:$0x3FB1] =	sst s3  }
0xc: {  	[smem:$0x3FB2] =	sst s4  }
0xd: {  	[smem:$0x3FB3] =	sst s5  }
0xe: {  	[smem:$0x3FB4] =	sst s6  }
0xf: {  	[smem:$0x3FB5] =	sst s7  }
0x10: {  	[smem:$0x3FB6] =	sst s8  }
0x11: {  	[smem:$0x3FB7] =	sst s9;
	s0 =	simm.s32 @!p0 $0x0  }
0x12: {  	s1 =	sld [smem:$0x3F9D];
	s0 =	simm.s32 @p0 $0x1  }
0x13: {  	[smem:$0x3FB8] =	sst s0;
	s0 =	simm.s32 @!p1 $0x0  }
0x14: {  	s2 =	sld [smem:$0x3F9C];
	s0 =	simm.s32 @p1 $0x1  }
0x15: {  	[smem:$0x3FB9] =	sst s0;
	s0 =	simm.s32 @!p2 $0x0  }
0x16: {  	s3 =	sld [smem:$0x3FDB];
	s0 =	simm.s32 @p2 $0x1  }
0x17: {  	s4 =	simm.s32 $0x1BF5;
	[smem:$0x3FBB] =	sst s0  }
0x18: {  	s0 =	sld [smem:$0x3F9E];
	_ =	swait.ge [sflag:s4], $0x0  }
0x19: {  	s7 =	sld [smem:$0x3F9F]  }
0x1a: {  	s8 =	sadd.s32 $0xFFFFE003, lr  }
0x1b: {  	s9 =	sadd.s32 $0xFFFFFEF7, lr;
	s5 =	simm.s32 $0xFFFFFFFF;
	p2 =	slt.u32 s8, $0xFFFFF086  }
0x1c: {  	p1 =	slt.u32 s9, $0xF7A;
	s5 =	simm.s32 @!p2 $0x0  }
0x1d: {  	s5 =	simm.s32 @p1 $0x1;
	p0 =	seq.s32 s7, s2  }
0x1e: {  	s7 =	smul.u32 @!p0 $0xF7A, s2;
	p2 =	seq.s32 @!p0 s5, $0x0  }
0x1f: {  	s9 =	smul.u32 $0xF7A, s1;
	s8 =	simm.s32 @!p0 $0x1BF5;
	p2 =	por !p2, p0  }
0x20: {  	[sflag:s8] =	ssyncset.s32 @!p0 $0xFFFFF086;
	s6 =	sadd.s32 @!p0 s3, s7;
	s7 =	simm.s32 @!p0 $0x108  }
0x21: {  	s3 =	sadd.s32 s3, s9;
	s6 =	sadd.s32 @!p0 $0x88, s6;
	s7 =	simm.s32 @p2 $0x1082  }
0x22: {  	[simem:s7], [sflag:s8] =	dma.local @!p0 [hbm:s6], $0xF7A  }
0x23: {  	s9 =	sor.u32 $0xD0000000, s2;
	s6 =	simm.s32 $0x108;
	_ =	swait.ge @!p0 [sflag:s8], $0x0  }
0x24: {  	s3 =	sadd.s32 $0x88, s3;
	s6 =	simm.s32 @!p1 $0x1082;
	[sflag:s4] =	ssyncset.s32 $0xFFFFF086  }
0x25: {  	[simem:s6], [sflag:s4] =	dma.local [hbm:s3], $0xF7A  }
0x26: {  	[smem:$0x3F9F] =	sst s1;
	(tag) =	ssettag s2;
	_ =	strace s9  }
0x27: {  	s1 =	sld [smem:$0x3FAF]  }
0x28: {  	s2 =	sld [smem:$0x3FB0]  }
0x29: {  	s4 =	sld [smem:$0x3FB2]  }
0x2a: {  	p0 =	seq.s32 s5, $0x0;
	s5 =	sld [smem:$0x3FB3]  }
0x2b: {  	s6 =	sld [smem:$0x3FB4]  }
0x2c: {  	s7 =	sld [smem:$0x3FB5]  }
0x2d: {  	s3 =	simm.s32 $0x108;
	s8 =	sld [smem:$0x3FB6]  }
0x2e: {  	s3 =	simm.s32 @!p0 $0x1082;
	s9 =	sld [smem:$0x3FB7]  }
0x2f: {  	lr =	sadd.s32 s0, s3;
	s0 =	sld [smem:$0x3FAE]  }
0x30: {  	s3 =	sld [smem:$0x3FB1]  }
0x31: {  	[smem:$0x3FBA] =	sst s10  }
0x32: {  	s10 =	sld [smem:$0x3FB8];
	_ =	sdelay $0x3  }
0x33: {  	p0 =	seq.s32 s10, $0x1;
	s10 =	sld [smem:$0x3FBA];
	_ =	sdelay $0x3  }
0x34: {  	[smem:$0x3FBA] =	sst s10  }
0x35: {  	s10 =	sld [smem:$0x3FB9];
	_ =	sdelay $0x3  }
0x36: {  	p1 =	seq.s32 s10, $0x1;
	s10 =	sld [smem:$0x3FBA];
	_ =	sdelay $0x3  }
0x37: {  	[smem:$0x3FBA] =	sst s10  }
0x38: {  	s10 =	sld [smem:$0x3FBB]  }
0x39: {  	_ = 	snop;
	(pc) =	sbr.ind lr, $3  }
0x3a: {  	_ = 	snop  }
0x3b: {  	_ = 	snop  }
0x3c: {  	p2 =	seq.s32 s10, $0x1;
	s10 =	sld [smem:$0x3FBA]  }
0x3d: {  	_ =	shalt  }
0x3e: {  	_ =	shalt  }
0x3f: {  	_ =	shalt  }
0x40: {  	_ =	shalt  }
0x41: {  	_ =	shalt  }
0x42: {  	_ =	shalt  }
0x43: {  	_ =	shalt  }
0x44: {  	_ =	shalt  }
0x45: {  	_ =	shalt  }
0x46: {  	_ =	shalt  }
0x47: {  	_ =	shalt  }
0x48: {  	_ =	shalt  }
0x49: {  	_ =	shalt  }
0x4a: {  	_ =	shalt  }
0x4b: {  	_ =	shalt  }
0x4c: {  	_ =	shalt  }
0x4d: {  	_ =	shalt  }
0x4e: {  	_ =	shalt  }
0x4f: {  	_ =	shalt  }
0x50: {  	_ =	shalt  }
0x51: {  	_ =	shalt  }
0x52: {  	_ =	shalt  }
0x53: {  	_ =	shalt  }
0x54: {  	_ =	shalt  }
0x55: {  	_ =	shalt  }
0x56: {  	_ =	shalt  }
0x57: {  	_ =	shalt  }
0x58: {  	_ =	shalt  }
0x59: {  	_ =	shalt  }
0x5a: {  	_ =	shalt  }
0x5b: {  	_ =	shalt  }
0x5c: {  	_ =	shalt  }
0x5d: {  	_ =	shalt  }
0x5e: {  	_ =	shalt  }
0x5f: {  	_ =	shalt  }
0x60: {  	_ =	shalt  }
0x61: {  	_ =	shalt  }
0x62: {  	_ =	shalt  }
0x63: {  	_ =	shalt  }
0x64: {  	_ =	shalt  }
0x65: {  	_ =	shalt  }
0x66: {  	_ =	shalt  }
0x67: {  	_ =	shalt  }
0x68: {  	_ =	shalt  }
0x69: {  	_ =	shalt  }
0x6a: {  	_ =	shalt  }
0x6b: {  	_ =	shalt  }
0x6c: {  	_ =	shalt  }
0x6d: {  	_ =	shalt  }
0x6e: {  	_ =	shalt  }
0x6f: {  	_ =	shalt  }
0x70: {  	_ =	shalt  }
0x71: {  	_ =	shalt  }
0x72: {  	_ =	shalt  }
0x73: {  	_ =	shalt  }
0x74: {  	_ =	shalt  }
0x75: {  	_ =	shalt  }
0x76: {  	_ =	shalt  }
0x77: {  	_ =	shalt  }
0x78: {  	_ =	shalt  }
0x79: {  	_ =	shalt  }
0x7a: {  	_ =	shalt  }
0x7b: {  	_ =	shalt  }
0x7c: {  	_ =	shalt  }
0x7d: {  	_ =	shalt  }
0x7e: {  	_ =	shalt  }
0x7f: {  	_ =	shalt  }
0x80: {  	_ =	shalt  }
0x81: {  	_ =	shalt  }
0x82: {  	_ =	shalt  }
0x83: {  	_ =	shalt  }
0x84: {  	_ =	shalt  }
0x85: {  	_ =	shalt  }
0x86: {  	_ =	shalt  }
0x87: {  	_ =	shalt  }
.Lfunc_end0:
.L_simem_size_0:
called_computation_lowered:
.L_overlay_start_0:
0x88: {  	s2 =	sld [smem:$0x3FD9]  }
0x89: {  	s3 =	sld [smem:$0x3FFE];
	_ =	sdelay $0x1  }
0x8a: {  	s1 =	srdreg.scid  }
0x8b: {  	s0 =	sand.u32 $0x1, s1  }
0x8c: {  	s16 =	sshll.u32 s0, $0xA;
	s2 =	sadd.s32 s3, s2  }
0x8d: {  	s2 =	sadd.s32 s2, s16  }
0x8e: {  	[smem:$0x3FC6] =	sst s2  }
0x8f: {  	_ = 	snop  }
0x90: {  	(tm) =	ssettm $0x1  }
0x91: {  	s17 =	sld [smem:$0x3FFB];
	_ =	sdelay $0x3  }
0x92: {  	_ =	strace s17  }
0x93: {  	s2 =	sld [smem:$0x3FFC];
	_ =	sdelay $0x3  }
0x94: {  	_ =	strace s2  }
0x95: {  	s2 =	sld [smem:$0x3FFD];
	_ =	sdelay $0x3  }
0x96: {  	_ =	strace s2  }
0x97: {  	_ =	strace $0x8FFFFFFF  }
0x98: {  	s18 =	sld [smem:$0x3FDB];
	_ =	sdelay $0x1  }
0x99: {  	s19 =	simm.s32 $_scs_section_size  }
0x9a: {  	s4 =	simm.s32 $_size__tile_overlayer_lowered;
	s5 =	simm.s32 $_tile_overlayer_lowered  }
0x9b: {  	s22 =	simm.s32 $0x1BFF;
	s21 =	sshll.u32 s5, $0x1;
	s2 =	sadd.s32 s19, s18  }
0x9c: {  	s6 =	simm.s32 $0x0;
	s20 =	sshll.u32 s4, $0x1;
	s4 =	sadd.s32 s21, s2  }
0x9d: {  	[timem:s6], [sflag:s22] =	dma.local [hbm:s4], s20  }
0x9e: {  	_ =	swait.ge [sflag:s22], s20  }
0x9f: {  	s3 =	ssub.s32 $0x0, s20;
	[sflag:s22] =	ssyncset.done $0x0  }
0xa0: {  	[sflag:s22] =	ssyncadd.s32 s3;
	_ =	sdelay $0x1  }
0xa1: {  	s23 =	simm.s32 $0x1B8B  }
0xa2: {  	_ =	swait.ge [sflag:s23], $0x1  }
0xa3: {  	[sflag:s23] =	ssyncset.done $0x0  }
0xa4: {  	s25 =	simm.s32 $0x1B8E;
	s24 =	sld [smem:$0x3FFE];
	[sflag:s23] =	ssyncadd.s32 $0xFFFFFFFF  }
0xa5: {  	s26 =	simm.s32 $execute0_lowered;
	[smem:$0x3FD2] =	sst s25  }
0xa6: {  	s4 =	sshll.u32 s26, $0x1;
	_ =	strace $0x80000046;
	[dreg:$0x1] =	wrdreg $0xFFFFFFFF  }
0xa7: {  	s28 =	simm.s32 $_size_execute0_lowered;
	s2 =	sadd.s32 s2, s4;
	[dreg:$0x0] =	wrdreg $0x0  }
0xa8: {  	s4 =	sshll.u32 s28, $0x1;
	[dreg:$0x2] =	wrdreg s2  }
0xa9: {  	[dreg:$0x3] =	wrdreg s4  }
0xaa: {  	[dreg:$0x4] =	wrdreg $0xC0  }
0xab: {  	_ =	task [dreg:s6], $0x5FFFF  }
0xac: {  	[dreg:$0x1] =	wrdreg $0xFFFFFFFF  }
0xad: {  	[dreg:$0x0] =	wrdreg $0x60  }
0xae: {  	[dreg:$0x2] =	wrdreg s24  }
0xaf: {  	[dreg:$0x3] =	wrdreg $0x9  }
0xb0: {  	_ =	task.clear_ibuf [dreg:s6], $0x4FFFF;
	_ =	strace $0x90000046  }
0xb1: {  	s29 =	simm.s32 $0x9;
	_ =	strace $0x80000048  }
0xb2: {  	_ =	swait.ge [sflag:s29], $0x1  }
0xb3: {  	[sflag:s29] =	ssyncadd.s32 $0xFFFFFFFF  }
0xb4: {  	_ =	strace $0x90000048  }
0xb5: {  	_ =	sfence  }
0xb6: {  	s30 =	sld [smem:$0x0];
	_ =	sdelay $0x2  }
0xb7: {  	s31 =	sshll.u32 s1, $0xD;
	s1 =	sshrl.u32 s1, $0x2  }
0xb8: {  	s3 =	sand.u32 $0x4000, s31;
	s1 =	sadd.s32 s1, s30  }
0xb9: {  	s0 =	sor.u32 s3, s0;
	s1 =	sshll.u32 s1, $0x11  }
0xba: {  	s0 =	sor.u32 s1, s0  }
0xbb: {  	s0 =	sadd.s32 $0x8F2B, s0  }
0xbc: {  	[sflag:s0] =	ssyncadd.remote.s32 $0x1  }
0xbd: {  	_ =	sfence.sel $0xFFFF  }
0xbe: {  	[dreg:$0x0] =	wrdreg $0xFFFFFFFF;
	(pc) =	sbr.abs _section_cstart, $3  }
0xbf: {  	[dreg:$0x1] =	wrdreg $0xFFFFFFFF  }
0xc0: {  	_ =	task.clear_ibuf [dreg:s6], $0x2FFFF;
	_ =	strace $0x9FFFFFFF  }
0xc1: {  	(tm) =	ssettm $0x7FFFFFFF  }
tec
execute0_lowered:
.L_overlay_start_1:
0x0: {  	(tag) =	ssettag $0x1  }
0x1: {  	s1 =	srdreg.scid;
	s0 =	stileid.u32  }
0x2: {  	s4 =	rddreg [dreg:$0x0];
	s2 =	simm.s32 $0x0;
	s12 =	simm.s32 $0x6400  }
0x3: {  	s13 =	simm.s32 $0xB400;
	s14 =	simm.s32 $0x500;
	s15 =	simm.s32 $0x10400  }
0x4: {  	s16 =	simm.s32 $0x780;
	s17 =	simm.s32 $0x15400;
	s18 =	simm.s32 $0x1  }
0x5: {  	s19 =	simm.s32 $0x2;
	s20 =	simm.s32 $0x3;
	s21 =	simm.s32 $0x4  }
0x6: {  	s22 =	simm.s32 $0x5;
	s23 =	simm.s32 $0x6;
	s24 =	simm.s32 $0x7  }
0x7: {  	s25 =	simm.s32 $0x8;
	s7 =	sand.u32 $0x1, s1;
	s5 =	smul.u32 $0xC800, s0  }
0x8: {  	s26 =	sshll.u32 s0, $0x1;
	[smem:$0x7FF] =	sst s2;
	s30 =	smul.u32 $0x32000, s0  }
0x9: {  	s11 =	sadd.s32 $0x3F1400, s4;
	s1 =	sor.u32 s7, s26;
	s6 =	smul.u32 $0x6400, s7  }
0xa: {  	s9 =	ssub.s32 $0x2, s7;
	s31 =	smul.u32 $0x19000, s7;
	s26 =	simm.s32 $0x0  }
0xb: {  	s3 =	smul.u32 $0x6400, s1;
	s1 =	rddreg [dreg:$0x1];
	s10 =	sshrl.u32 s9, $0x1  }
0xc: {  	_ =	strace $0x80000047;
	s5 =	sadd.s32 s6, s5;
	s28 =	ssub.s32 s9, s10  }
.Ltmp0:
0xd: {  	s9 =	sadd.s32 s30, s11;
	s10 =	simm.s32 $0x9;
	(pc) =	sbr.rel .LBB2_1-.Ltmp0, $4  }
0xe: {  	s3 =	sshrl.u32 s3, $0x3;
	s5 =	sshll.u32 s5, $0x2;
	s9 =	sadd.s32 s31, s9  }
0xf: {  	s8 =	sadd.s32 s3, s4;
	s3 =	sadd.s32 $0x19400, s4;
	s29 =	sadd.s32 s5, s11  }
0x10: {  	s5 =	smax.u32 s28, $0x1;
	s11 =	simm.s32 $0x280;
	s4 =	sadd.s32 $0x400, s8  }
0x11: {  	s6 =	sadd.s32 $0x1E00, s29;
	s7 =	sadd.s32 $0x1400, s29;
	s8 =	sadd.s32 $0xA00, s29  }
.LBB2_4:
0x12: {  	_ =	swait.ge [sflag:s23], $0x5000  }
0x13: {  	[sflag:s23] =	ssyncset.done $0x0  }
0x14: {  	s26 =	sadd.s32 $0x1, s26;
	[sflag:s23] =	ssyncadd.s32 $0xFFFFB000  }
0x15: {  	p0 =	sne.s32 s26, s5;
	_ =	swait.ge [sflag:s24], $0x5000  }
.Ltmp1:
0x16: {  	[sflag:s24] =	ssyncset.done $0x0;
	(pc) =	sbr.rel @!p0 .LBB2_5-.Ltmp1, $4  }
0x17: {  	[sflag:s24] =	ssyncadd.s32 $0xFFFFB000  }
0x18: {  	_ =	swait.ge [sflag:s25], $0x5000  }
0x19: {  	[sflag:s25] =	ssyncset.done $0x0  }
0x1a: {  	[sflag:s25] =	ssyncadd.s32 $0xFFFFB000  }
.LBB2_1:
0x1b: {  	[tilespmem:s2], [sflag:$0x9] =	stream.linear.gather [hbm4b:s4+s2], $0x6400, $0x38;
	[tilespmem:$0x1A400] =	vst v63  }
0x1c: {  	_ =	swait.ge [sflag:s10], $0x6400  }
0x1d: {  	[sflag:s10] =	ssyncset.done $0x0  }
0x1e: {  	[sflag:s10] =	ssyncadd.s32 $0xFFFF9C00  }
0x1f: {  	[tilespmem:s12], [sflag:$0x1] =	stream.indirect.gather [hbm4b:s3+s11], $0x20, s2, s11, $0xb8;
	[tilespmem:$0x1A400] =	vst v63  }
0x20: {  	_ = 	snop  }
0x21: {  	[tilespmem:s13], [sflag:$0x2] =	stream.indirect.gather [hbm4b:s3+s11], $0x20, s11, s11, $0xb8;
	[tilespmem:$0x1A400] =	vst v63  }
0x22: {  	_ = 	snop  }
0x23: {  	[tilespmem:s15], [sflag:$0x3] =	stream.indirect.gather [hbm4b:s3+s11], $0x20, s14, s11, $0xb8;
	[tilespmem:$0x1A400] =	vst v63  }
0x24: {  	s28 =	simm.s32 $0x0  }
0x25: {  	[tilespmem:s17], [sflag:$0x4] =	stream.indirect.gather [hbm4b:s3+s11], $0x20, s16, s11, $0xb8;
	[tilespmem:$0x1A400] =	vst v63  }
.LBB2_2:
0x26: {  	_ =	swait.ge [sflag:s18], $0x5000  }
0x27: {  	[sflag:s18] =	ssyncset.done $0x0  }
0x28: {  	s29 =	sadd.s32 s28, s9;
	[sflag:s18] =	ssyncadd.s32 $0xFFFFB000  }
0x29: {  	[hbm4b:s29+s2] =	stream.linear.scatter [tilespmem:s12], [sflag:$0x5], $0x5000, $0x38;
	[tilespmem:$0x1A400] =	vst v63  }
0x2a: {  	_ =	swait.ge [sflag:s19], $0x5000  }
0x2b: {  	[sflag:s19] =	ssyncset.done $0x0  }
0x2c: {  	s31 =	sadd.s32 s28, s8;
	[sflag:s19] =	ssyncadd.s32 $0xFFFFB000  }
0x2d: {  	[hbm4b:s31+s2] =	stream.linear.scatter [tilespmem:s13], [sflag:$0x6], $0x5000, $0x38;
	[tilespmem:$0x1A400] =	vst v63  }
0x2e: {  	_ =	swait.ge [sflag:s20], $0x5000  }
0x2f: {  	[sflag:s20] =	ssyncset.done $0x0  }
0x30: {  	s30 =	sadd.s32 s28, s7;
	[sflag:s20] =	ssyncadd.s32 $0xFFFFB000  }
0x31: {  	[hbm4b:s30+s2] =	stream.linear.scatter [tilespmem:s15], [sflag:$0x7], $0x5000, $0x38;
	[tilespmem:$0x1A400] =	vst v63  }
0x32: {  	_ =	swait.ge [sflag:s21], $0x5000  }
0x33: {  	p0 =	seq.s32 s28, $0x16800;
	[sflag:s21] =	ssyncset.done $0x0  }
.Ltmp2:
0x34: {  	s31 =	sadd.s32 s28, s6;
	[sflag:s21] =	ssyncadd.s32 $0xFFFFB000;
	(pc) =	sbr.rel @p0 .LBB2_4-.Ltmp2, $4  }
0x35: {  	[hbm4b:s31+s2] =	stream.linear.scatter [tilespmem:s17], [sflag:$0x8], $0x5000, $0x38;
	[tilespmem:$0x1A400] =	vst v63  }
0x36: {  	_ =	swait.ge [sflag:s22], $0x5000  }
0x37: {  	[sflag:s22] =	ssyncset.done $0x0  }
0x38: {  	[sflag:s22] =	ssyncadd.s32 $0xFFFFB000  }
0x39: {  	s29 =	sshra.s32 s28, $0x2  }
0x3a: {  	s30 =	sadd.s32 $0xA00, s29  }
0x3b: {  	[tilespmem:s12], [sflag:$0x1] =	stream.indirect.gather [hbm4b:s3+s11], $0x20, s30, s11, $0xb8;
	[tilespmem:$0x1A400] =	vst v63  }
0x3c: {  	_ =	swait.ge [sflag:s23], $0x5000  }
0x3d: {  	[sflag:s23] =	ssyncset.done $0x0  }
0x3e: {  	s31 =	sadd.s32 $0xC80, s29;
	[sflag:s23] =	ssyncadd.s32 $0xFFFFB000  }
0x3f: {  	[tilespmem:s13], [sflag:$0x2] =	stream.indirect.gather [hbm4b:s3+s11], $0x20, s31, s11, $0xb8;
	[tilespmem:$0x1A400] =	vst v63  }
0x40: {  	_ =	swait.ge [sflag:s24], $0x5000  }
0x41: {  	[sflag:s24] =	ssyncset.done $0x0  }
0x42: {  	s31 =	sadd.s32 $0xF00, s29;
	[sflag:s24] =	ssyncadd.s32 $0xFFFFB000  }
0x43: {  	[tilespmem:s15], [sflag:$0x3] =	stream.indirect.gather [hbm4b:s3+s11], $0x20, s31, s11, $0xb8;
	[tilespmem:$0x1A400] =	vst v63  }
.Ltmp3:
0x44: {  	_ = 	snop;
	(pc) =	sbr.rel .LBB2_2-.Ltmp3, $4  }
0x45: {  	_ =	swait.ge [sflag:s25], $0x5000  }
0x46: {  	[sflag:s25] =	ssyncset.done $0x0  }
0x47: {  	s28 =	sadd.s32 $0x2800, s28;
	s29 =	sadd.s32 $0x1180, s29;
	[sflag:s25] =	ssyncadd.s32 $0xFFFFB000  }
0x48: {  	[tilespmem:s17], [sflag:$0x4] =	stream.indirect.gather [hbm4b:s3+s11], $0x20, s29, s11, $0xb8;
	[tilespmem:$0x1A400] =	vst v63  }
.LBB2_5:
0x49: {  	_ =	sfence.sel $0x180000  }
0x4a: {  	[bflag:$0x0] =	sbarrier.arrive $0xFFFF  }
0x4b: {  	p0 =	sne.s32 s0, $0x0;
	_ =	strace $0x90000047  }
0x4c: {  	s0 =	sadd.s32 @!p0 $0x100000, s1;
	[bflag:$0x2] =	sbarrier.arrive $0xFFFF  }
0x4d: {  	[sflag:s0] =	ssyncadd.tile.s32 @!p0 $0x1;
	_ =	shalt  }
.Lfunc_end2:
_tile_overlayer_lowered:
.L_overlay_start_2:
0x4e: {  	(tag) =	ssettag $0x2  }
0x4f: {  	s0 =	rddreg [dreg:$0x0];
	s2 =	stileid.u32  }
0x50: {  	s1 =	rddreg [dreg:$0x1];
	p0 =	sne.s32 s2, $0x0  }
0x51: {  	s3 =	rddreg [dreg:$0x2];
	[bflag:$0x3] =	sbarrier.arrive $0xFFFF;
	s2 =	simm.s32 @!p0 $0x1C09  }
0x52: {  	[timem:s3], [sflag:s2] =	dma.local @!p0 [hbm:s0], s1  }
0x53: {  	s0 =	simm.s32 @!p0 $0x9  }
0x54: {  	_ =	swait.ge @!p0 [sflag:s0], s1  }
0x55: {  	s1 =	ssub.s32 @!p0 $0x0, s1;
	[sflag:s0] =	ssyncset.done @!p0 $0x0  }
0x56: {  	[sflag:s0] =	ssyncadd.s32 @!p0 s1  }
0x57: {  	[bflag:$0x3] =	sbarrier.arrive $0xFFFF  }
0x58: {  	_ =	shalt  }

</sc_bundles>
